<compile_context>
chip_gen: v7x
topology: tpu7x:2x2x1
jax: 0.10.2.dev20260603
libtpu: 0.0.44.dev20260713+nightly
codegen_flags: <defaults>
</compile_context>

<pallas_src>
import jax
import jax.numpy as jnp
from jax.experimental import pallas as pl

VOCAB = 100000
SEED = 42
PRIOR_TOKENS = 4
DEPTH = 4
BATCH = 64
TOP_P = 0.9

BLOCK_V = 12800
BLOCK_B = 8


def _g_values(prior_ids):
    base = jax.random.key(SEED)

    def per_example(pid):
        kp = jax.random.fold_in(base, pid)
        rows = []
        for i in range(DEPTH):
            ki = jax.random.fold_in(kp, i)
            rows.append(jax.random.bernoulli(ki, 0.5, (VOCAB,)).astype(jnp.float32))
        return jnp.stack(rows, axis=0)

    return jax.vmap(per_example)(prior_ids)


def _scores_kernel(tok_ref, out_ref):
    j = pl.program_id(1)
    tok = tok_ref[...]
    col = jax.lax.broadcasted_iota(jnp.int32, (BLOCK_B, BLOCK_V), 1) + j * BLOCK_V
    out_ref[...] = jnp.where(col == tok, 100000.0, 1e-05)


def _assemble_scores(next_token):
    tok = next_token.reshape(BATCH, 1).astype(jnp.int32)
    grid = (BATCH // BLOCK_B, pl.cdiv(VOCAB, BLOCK_V))
    return pl.pallas_call(
        _scores_kernel,
        grid=grid,
        in_specs=[pl.BlockSpec((BLOCK_B, 1), lambda b, j: (b, 0))],
        out_specs=pl.BlockSpec((BLOCK_B, BLOCK_V), lambda b, j: (b, j)),
        out_shape=jax.ShapeDtypeStruct((BATCH, VOCAB), jnp.float32),
    )(tok)


def kernel(input_ids, logits):
    prior_ids = jnp.sum(input_ids[:, -PRIOR_TOKENS:], axis=-1).astype(jnp.int32)
    g_values = _g_values(prior_ids)
    probs = jax.nn.softmax(logits, axis=-1)
    for i in range(DEPTH):
        g_i = g_values[:, i, :]
        g_mass = jnp.sum(g_i * probs, axis=-1, keepdims=True)
        probs = probs * (1.0 + g_i - g_mass)
    order = jnp.argsort(-probs, axis=-1)
    sorted_probs = jnp.take_along_axis(probs, order, axis=-1)
    cum = jnp.cumsum(sorted_probs, axis=-1)
    cutoff = jax.vmap(lambda c: jnp.searchsorted(c, TOP_P, side='left'))(cum)
    keep = jnp.arange(VOCAB)[None, :] <= cutoff[:, None]
    sorted_probs = jnp.where(keep, sorted_probs, 0.0)
    denom = jnp.sum(sorted_probs, axis=-1, keepdims=True)
    sorted_probs = sorted_probs / denom
    sorted_probs = jnp.where(jnp.isfinite(sorted_probs), sorted_probs, 0.0)
    skeys = jax.vmap(lambda b: jax.random.fold_in(jax.random.key(SEED + 1), b))(
        jnp.arange(BATCH))
    sampled = jax.vmap(lambda k, p: jax.random.categorical(k, jnp.log(p)))(
        skeys, sorted_probs)
    next_token = jnp.take_along_axis(order, sampled[:, None], axis=-1)[:, 0]
    return _assemble_scores(next_token)

# --- scband reference (transcript-rebuilt; emitter-appended) ---
"""Pipeline reference for scband-synth-idprocessor-22634477650270 (READ-ONLY COPY).

The authoritative reference and input builder live on the scoring server;
editing this copy changes nothing except your own understanding.
"""

import jax, jax.numpy as jnp
import numpy as np

VOCAB = 100000
SEED = 42
PRIOR_TOKENS = 4
DEPTH = 4
BATCH = 64
SEQ = 2048
TOP_P = 0.9


def setup_inputs(seed: int = 0) -> dict:
    key = jax.random.key(seed)
    k1, k2 = jax.random.split(key)
    input_ids = jax.random.randint(k1, (BATCH, SEQ), 0, VOCAB, dtype=jnp.int32)
    logits = jax.random.normal(k2, (BATCH, VOCAB), dtype=jnp.float32)
    return {"input_ids": input_ids, "logits": logits}


def _g_values(prior_ids):
    # Faithful structural translation of get_gvalues: a deterministic pseudo-random
    # 0/1 tensor of shape [depth, vocab] derived from (seed, prior_id, depth_index).
    base = jax.random.key(SEED)
    def per_example(pid):
        kp = jax.random.fold_in(base, pid)
        rows = []
        for i in range(DEPTH):
            ki = jax.random.fold_in(kp, i)
            rows.append(jax.random.bernoulli(ki, 0.5, (VOCAB,)).astype(jnp.float32))
        return jnp.stack(rows, axis=0)
    return jax.vmap(per_example)(prior_ids)  # [B, depth, vocab]


def _update_scores(input_ids, logits):
    prior_ids = jnp.sum(input_ids[:, -PRIOR_TOKENS:], axis=-1).astype(jnp.int32)
    g_values = _g_values(prior_ids)  # [B, depth, vocab]
    probs = jax.nn.softmax(logits, axis=-1)
    for i in range(DEPTH):
        g_i = g_values[:, i, :]
        g_mass = jnp.sum(g_i * probs, axis=-1, keepdims=True)
        probs = probs * (1.0 + g_i - g_mass)
    # top-p sampling, vectorized over batch
    order = jnp.argsort(-probs, axis=-1)
    sorted_probs = jnp.take_along_axis(probs, order, axis=-1)
    cum = jnp.cumsum(sorted_probs, axis=-1)
    cutoff = jax.vmap(lambda c: jnp.searchsorted(c, TOP_P, side='left'))(cum)  # [B]
    keep = jnp.arange(VOCAB)[None, :] <= cutoff[:, None]
    sorted_probs = jnp.where(keep, sorted_probs, 0.0)
    denom = jnp.sum(sorted_probs, axis=-1, keepdims=True)
    sorted_probs = sorted_probs / denom
    sorted_probs = jnp.where(jnp.isfinite(sorted_probs), sorted_probs, 0.0)
    skeys = jax.vmap(lambda b: jax.random.fold_in(jax.random.key(SEED + 1), b))(jnp.arange(BATCH))
    sampled = jax.vmap(lambda k, p: jax.random.categorical(k, jnp.log(p)))(skeys, sorted_probs)
    next_token = jnp.take_along_axis(order, sampled[:, None], axis=-1)[:, 0]
    scores = jnp.full_like(logits, 1e-05)
    scores = scores.at[jnp.arange(BATCH), next_token].set(100000.0)
    return scores


def reference(input_ids, logits):
    return _update_scores(input_ids, logits)

if __name__ == "__main__":
    import jax
    _d = setup_inputs()
    print(jax.jit(kernel)(*tuple(_d.values())))

</pallas_src>

<mosaic_0001>
module attributes {stable_mosaic.version = 14 : i64} {
  func.func @_scores_kernel(%arg0: i32, %arg1: i32, %arg2: memref<8x1xi32, #tpu.memory_space<vmem>>, %arg3: memref<8x12800xf32, #tpu.memory_space<vmem>>) attributes {dimension_semantics = [#tpu.dimension_semantics<arbitrary>, #tpu.dimension_semantics<arbitrary>], iteration_bounds = array<i64: 8, 8>, scalar_prefetch = 0 : i64, scratch_operands = 0 : i64, tpu.core_type = #tpu.core_type<tc>, window_params = [{transform_indices = @transform_0, window_bounds = array<i64: 8, 1>}, {transform_indices = @transform_1, window_bounds = array<i64: 8, 12800>}]} {
    %get3A = arith.constant 0 : index
    %get3A_0 = arith.constant 0 : index
    %get3A_1 = vector.load %arg2[%get3A, %get3A_0] : memref<8x1xi32, #tpu.memory_space<vmem>>, vector<8x1xi32>
    %iota3A = tpu.iota {dimensions = array<i32: 1>} : vector<8x12800xi32>
    %mul3A = arith.constant 12800 : i32
    %mul3A_2 = arith.muli %arg1, %mul3A : i32
    %add3A = vector.broadcast %mul3A_2 : i32 to vector<8x12800xi32>
    %add3A_3 = arith.addi %iota3A, %add3A : vector<8x12800xi32>
    %eq3A = vector.broadcast %get3A_1 : vector<8x1xi32> to vector<8x12800xi32>
    %eq3A_4 = arith.cmpi eq, %add3A_3, %eq3A : vector<8x12800xi32>
    %jit3A = arith.constant 1.000000e+05 : f32
    %jit3A_5 = arith.constant 9.99999974E-6 : f32
    %broadcast_in_dim3A = vector.broadcast %jit3A : f32 to vector<8x12800xf32>
    %broadcast_in_dim3A_6 = vector.broadcast %jit3A_5 : f32 to vector<8x12800xf32>
    %select_n3A = arith.select %eq3A_4, %broadcast_in_dim3A, %broadcast_in_dim3A_6 : vector<8x12800xi1>, vector<8x12800xf32>
    %swap3A = arith.constant 0 : index
    %swap3A_7 = arith.constant 0 : index
    %swap3A_8 = vector.load %arg3[%swap3A, %swap3A_7] : memref<8x12800xf32, #tpu.memory_space<vmem>>, vector<8x12800xf32>
    tpu.vector_store %arg3[%swap3A, %swap3A_7], %select_n3A {strides = array<i32>} : memref<8x12800xf32, #tpu.memory_space<vmem>>, vector<8x12800xf32>,
    return
  }
  func.func @transform_0(%arg0: i32, %arg1: i32) -> (i32, i32) {
    %c0_i32 = arith.constant 0 : i32
    %c0_i32_0 = arith.constant 0 : i32
    return %arg0, %c0_i32 : i32, i32
  }
  func.func @transform_1(%arg0: i32, %arg1: i32) -> (i32, i32) {
    %c0_i32 = arith.constant 0 : i32
    return %arg0, %arg1 : i32, i32
  }
}

</mosaic_0001>

<sc_bundles>
// kernel: gather_offload_async_start
scs
__scs_entry_jumppad:
0x0: {  	(pc) =	sbr.rel $0x88, $3  }
0x1: {  	(tag) =	ssettag $0x0;
	lr =	simm.s32 $0x1  }
0x2: {  	[smem:$0x3F9F] =	sst lr;
	_ =	strace $0xD0000000  }
0x3: {  	_ = 	snop  }
0x4: {  	_ = 	snop  }
0x5: {  	_ = 	snop  }
0x6: {  	_ = 	snop  }
0x7: {  	_ = 	snop  }
__scs_overlays_trampoline_lowered:
0x8: {  	[smem:$0x3FAE] =	sst s0  }
0x9: {  	[smem:$0x3FAF] =	sst s1  }
0xa: {  	[smem:$0x3FB0] =	sst s2  }
0xb: {  	[smem:$0x3FB1] =	sst s3  }
0xc: {  	[smem:$0x3FB2] =	sst s4  }
0xd: {  	[smem:$0x3FB3] =	sst s5  }
0xe: {  	[smem:$0x3FB4] =	sst s6  }
0xf: {  	[smem:$0x3FB5] =	sst s7  }
0x10: {  	[smem:$0x3FB6] =	sst s8  }
0x11: {  	[smem:$0x3FB7] =	sst s9;
	s0 =	simm.s32 @!p0 $0x0  }
0x12: {  	s1 =	sld [smem:$0x3F9D];
	s0 =	simm.s32 @p0 $0x1  }
0x13: {  	[smem:$0x3FB8] =	sst s0;
	s0 =	simm.s32 @!p1 $0x0  }
0x14: {  	s2 =	sld [smem:$0x3F9C];
	s0 =	simm.s32 @p1 $0x1  }
0x15: {  	[smem:$0x3FB9] =	sst s0;
	s0 =	simm.s32 @!p2 $0x0  }
0x16: {  	s3 =	sld [smem:$0x3FDB];
	s0 =	simm.s32 @p2 $0x1  }
0x17: {  	s4 =	simm.s32 $0x1BF5;
	[smem:$0x3FBB] =	sst s0  }
0x18: {  	s0 =	sld [smem:$0x3F9E];
	_ =	swait.ge [sflag:s4], $0x0  }
0x19: {  	s7 =	sld [smem:$0x3F9F]  }
0x1a: {  	s8 =	sadd.s32 $0xFFFFE003, lr  }
0x1b: {  	s9 =	sadd.s32 $0xFFFFFEF7, lr;
	s5 =	simm.s32 $0xFFFFFFFF;
	p2 =	slt.u32 s8, $0xFFFFF086  }
0x1c: {  	p1 =	slt.u32 s9, $0xF7A;
	s5 =	simm.s32 @!p2 $0x0  }
0x1d: {  	s5 =	simm.s32 @p1 $0x1;
	p0 =	seq.s32 s7, s2  }
0x1e: {  	s7 =	smul.u32 @!p0 $0xF7A, s2;
	p2 =	seq.s32 @!p0 s5, $0x0  }
0x1f: {  	s9 =	smul.u32 $0xF7A, s1;
	s8 =	simm.s32 @!p0 $0x1BF5;
	p2 =	por !p2, p0  }
0x20: {  	[sflag:s8] =	ssyncset.s32 @!p0 $0xFFFFF086;
	s6 =	sadd.s32 @!p0 s3, s7;
	s7 =	simm.s32 @!p0 $0x108  }
0x21: {  	s3 =	sadd.s32 s3, s9;
	s6 =	sadd.s32 @!p0 $0x88, s6;
	s7 =	simm.s32 @p2 $0x1082  }
0x22: {  	[simem:s7], [sflag:s8] =	dma.local @!p0 [hbm:s6], $0xF7A  }
0x23: {  	s9 =	sor.u32 $0xD0000000, s2;
	s6 =	simm.s32 $0x108;
	_ =	swait.ge @!p0 [sflag:s8], $0x0  }
0x24: {  	s3 =	sadd.s32 $0x88, s3;
	s6 =	simm.s32 @!p1 $0x1082;
	[sflag:s4] =	ssyncset.s32 $0xFFFFF086  }
0x25: {  	[simem:s6], [sflag:s4] =	dma.local [hbm:s3], $0xF7A  }
0x26: {  	[smem:$0x3F9F] =	sst s1;
	(tag) =	ssettag s2;
	_ =	strace s9  }
0x27: {  	s1 =	sld [smem:$0x3FAF]  }
0x28: {  	s2 =	sld [smem:$0x3FB0]  }
0x29: {  	s4 =	sld [smem:$0x3FB2]  }
0x2a: {  	p0 =	seq.s32 s5, $0x0;
	s5 =	sld [smem:$0x3FB3]  }
0x2b: {  	s6 =	sld [smem:$0x3FB4]  }
0x2c: {  	s7 =	sld [smem:$0x3FB5]  }
0x2d: {  	s3 =	simm.s32 $0x108;
	s8 =	sld [smem:$0x3FB6]  }
0x2e: {  	s3 =	simm.s32 @!p0 $0x1082;
	s9 =	sld [smem:$0x3FB7]  }
0x2f: {  	lr =	sadd.s32 s0, s3;
	s0 =	sld [smem:$0x3FAE]  }
0x30: {  	s3 =	sld [smem:$0x3FB1]  }
0x31: {  	[smem:$0x3FBA] =	sst s10  }
0x32: {  	s10 =	sld [smem:$0x3FB8];
	_ =	sdelay $0x3  }
0x33: {  	p0 =	seq.s32 s10, $0x1;
	s10 =	sld [smem:$0x3FBA];
	_ =	sdelay $0x3  }
0x34: {  	[smem:$0x3FBA] =	sst s10  }
0x35: {  	s10 =	sld [smem:$0x3FB9];
	_ =	sdelay $0x3  }
0x36: {  	p1 =	seq.s32 s10, $0x1;
	s10 =	sld [smem:$0x3FBA];
	_ =	sdelay $0x3  }
0x37: {  	[smem:$0x3FBA] =	sst s10  }
0x38: {  	s10 =	sld [smem:$0x3FBB]  }
0x39: {  	_ = 	snop;
	(pc) =	sbr.ind lr, $3  }
0x3a: {  	_ = 	snop  }
0x3b: {  	_ = 	snop  }
0x3c: {  	p2 =	seq.s32 s10, $0x1;
	s10 =	sld [smem:$0x3FBA]  }
0x3d: {  	_ =	shalt  }
0x3e: {  	_ =	shalt  }
0x3f: {  	_ =	shalt  }
0x40: {  	_ =	shalt  }
0x41: {  	_ =	shalt  }
0x42: {  	_ =	shalt  }
0x43: {  	_ =	shalt  }
0x44: {  	_ =	shalt  }
0x45: {  	_ =	shalt  }
0x46: {  	_ =	shalt  }
0x47: {  	_ =	shalt  }
0x48: {  	_ =	shalt  }
0x49: {  	_ =	shalt  }
0x4a: {  	_ =	shalt  }
0x4b: {  	_ =	shalt  }
0x4c: {  	_ =	shalt  }
0x4d: {  	_ =	shalt  }
0x4e: {  	_ =	shalt  }
0x4f: {  	_ =	shalt  }
0x50: {  	_ =	shalt  }
0x51: {  	_ =	shalt  }
0x52: {  	_ =	shalt  }
0x53: {  	_ =	shalt  }
0x54: {  	_ =	shalt  }
0x55: {  	_ =	shalt  }
0x56: {  	_ =	shalt  }
0x57: {  	_ =	shalt  }
0x58: {  	_ =	shalt  }
0x59: {  	_ =	shalt  }
0x5a: {  	_ =	shalt  }
0x5b: {  	_ =	shalt  }
0x5c: {  	_ =	shalt  }
0x5d: {  	_ =	shalt  }
0x5e: {  	_ =	shalt  }
0x5f: {  	_ =	shalt  }
0x60: {  	_ =	shalt  }
0x61: {  	_ =	shalt  }
0x62: {  	_ =	shalt  }
0x63: {  	_ =	shalt  }
0x64: {  	_ =	shalt  }
0x65: {  	_ =	shalt  }
0x66: {  	_ =	shalt  }
0x67: {  	_ =	shalt  }
0x68: {  	_ =	shalt  }
0x69: {  	_ =	shalt  }
0x6a: {  	_ =	shalt  }
0x6b: {  	_ =	shalt  }
0x6c: {  	_ =	shalt  }
0x6d: {  	_ =	shalt  }
0x6e: {  	_ =	shalt  }
0x6f: {  	_ =	shalt  }
0x70: {  	_ =	shalt  }
0x71: {  	_ =	shalt  }
0x72: {  	_ =	shalt  }
0x73: {  	_ =	shalt  }
0x74: {  	_ =	shalt  }
0x75: {  	_ =	shalt  }
0x76: {  	_ =	shalt  }
0x77: {  	_ =	shalt  }
0x78: {  	_ =	shalt  }
0x79: {  	_ =	shalt  }
0x7a: {  	_ =	shalt  }
0x7b: {  	_ =	shalt  }
0x7c: {  	_ =	shalt  }
0x7d: {  	_ =	shalt  }
0x7e: {  	_ =	shalt  }
0x7f: {  	_ =	shalt  }
0x80: {  	_ =	shalt  }
0x81: {  	_ =	shalt  }
0x82: {  	_ =	shalt  }
0x83: {  	_ =	shalt  }
0x84: {  	_ =	shalt  }
0x85: {  	_ =	shalt  }
0x86: {  	_ =	shalt  }
0x87: {  	_ =	shalt  }
.Lfunc_end0:
.L_simem_size_0:
called_computation_lowered:
.L_overlay_start_0:
0x88: {  	s2 =	sld [smem:$0x3FD9]  }
0x89: {  	s3 =	sld [smem:$0x3FFE];
	_ =	sdelay $0x1  }
0x8a: {  	s1 =	srdreg.scid  }
0x8b: {  	s0 =	sand.u32 $0x1, s1  }
0x8c: {  	s16 =	sshll.u32 s0, $0xA;
	s2 =	sadd.s32 s3, s2  }
0x8d: {  	s2 =	sadd.s32 s2, s16  }
0x8e: {  	[smem:$0x3FC6] =	sst s2  }
0x8f: {  	_ = 	snop  }
0x90: {  	(tm) =	ssettm $0x1  }
0x91: {  	s17 =	sld [smem:$0x3FFB];
	_ =	sdelay $0x3  }
0x92: {  	_ =	strace s17  }
0x93: {  	s2 =	sld [smem:$0x3FFC];
	_ =	sdelay $0x3  }
0x94: {  	_ =	strace s2  }
0x95: {  	s2 =	sld [smem:$0x3FFD];
	_ =	sdelay $0x3  }
0x96: {  	_ =	strace s2  }
0x97: {  	_ =	strace $0x8FFFFFFF  }
0x98: {  	s18 =	sld [smem:$0x3FDB];
	_ =	sdelay $0x1  }
0x99: {  	s19 =	simm.s32 $_scs_section_size  }
0x9a: {  	s4 =	simm.s32 $_size__tile_overlayer_lowered;
	s5 =	simm.s32 $_tile_overlayer_lowered  }
0x9b: {  	s22 =	simm.s32 $0x1BFF;
	s21 =	sshll.u32 s5, $0x1;
	s2 =	sadd.s32 s19, s18  }
0x9c: {  	s6 =	simm.s32 $0x0;
	s20 =	sshll.u32 s4, $0x1;
	s4 =	sadd.s32 s21, s2  }
0x9d: {  	[timem:s6], [sflag:s22] =	dma.local [hbm:s4], s20  }
0x9e: {  	_ =	swait.ge [sflag:s22], s20  }
0x9f: {  	s3 =	ssub.s32 $0x0, s20;
	[sflag:s22] =	ssyncset.done $0x0  }
0xa0: {  	[sflag:s22] =	ssyncadd.s32 s3;
	_ =	sdelay $0x1  }
0xa1: {  	s23 =	simm.s32 $0x1B8B  }
0xa2: {  	_ =	swait.ge [sflag:s23], $0x1  }
0xa3: {  	[sflag:s23] =	ssyncset.done $0x0  }
0xa4: {  	s25 =	simm.s32 $0x1B8E;
	s24 =	sld [smem:$0x3FFE];
	[sflag:s23] =	ssyncadd.s32 $0xFFFFFFFF  }
0xa5: {  	s26 =	simm.s32 $execute0_lowered;
	[smem:$0x3FD2] =	sst s25  }
0xa6: {  	s4 =	sshll.u32 s26, $0x1;
	_ =	strace $0x80000046;
	[dreg:$0x1] =	wrdreg $0xFFFFFFFF  }
0xa7: {  	s28 =	simm.s32 $_size_execute0_lowered;
	s2 =	sadd.s32 s2, s4;
	[dreg:$0x0] =	wrdreg $0x0  }
0xa8: {  	s4 =	sshll.u32 s28, $0x1;
	[dreg:$0x2] =	wrdreg s2  }
0xa9: {  	[dreg:$0x3] =	wrdreg s4  }
0xaa: {  	[dreg:$0x4] =	wrdreg $0xC0  }
0xab: {  	_ =	task [dreg:s6], $0x5FFFF  }
0xac: {  	[dreg:$0x1] =	wrdreg $0xFFFFFFFF  }
0xad: {  	[dreg:$0x0] =	wrdreg $0x60  }
0xae: {  	[dreg:$0x2] =	wrdreg s24  }
0xaf: {  	[dreg:$0x3] =	wrdreg $0x9  }
0xb0: {  	_ =	task.clear_ibuf [dreg:s6], $0x4FFFF;
	_ =	strace $0x90000046  }
0xb1: {  	s29 =	simm.s32 $0x9;
	_ =	strace $0x80000048  }
0xb2: {  	_ =	swait.ge [sflag:s29], $0x1  }
0xb3: {  	[sflag:s29] =	ssyncadd.s32 $0xFFFFFFFF  }
0xb4: {  	_ =	strace $0x90000048  }
0xb5: {  	_ =	sfence  }
0xb6: {  	s30 =	sld [smem:$0x0];
	_ =	sdelay $0x2  }
0xb7: {  	s31 =	sshll.u32 s1, $0xD;
	s1 =	sshrl.u32 s1, $0x2  }
0xb8: {  	s3 =	sand.u32 $0x4000, s31;
	s1 =	sadd.s32 s1, s30  }
0xb9: {  	s0 =	sor.u32 s3, s0;
	s1 =	sshll.u32 s1, $0x11  }
0xba: {  	s0 =	sor.u32 s1, s0  }
0xbb: {  	s0 =	sadd.s32 $0x8F2B, s0  }
0xbc: {  	[sflag:s0] =	ssyncadd.remote.s32 $0x1  }
0xbd: {  	_ =	sfence.sel $0xFFFF  }
0xbe: {  	[dreg:$0x0] =	wrdreg $0xFFFFFFFF;
	(pc) =	sbr.abs _section_cstart, $3  }
0xbf: {  	[dreg:$0x1] =	wrdreg $0xFFFFFFFF  }
0xc0: {  	_ =	task.clear_ibuf [dreg:s6], $0x2FFFF;
	_ =	strace $0x9FFFFFFF  }
0xc1: {  	(tm) =	ssettm $0x7FFFFFFF  }
tec
execute0_lowered:
.L_overlay_start_1:
0x0: {  	(tag) =	ssettag $0x1  }
0x1: {  	s0 =	stileid.u32;
	s1 =	srdreg.scid  }
0x2: {  	s1 =	sand.u32 $0x1, s1;
	s2 =	sshll.u32 s0, $0x1  }
0x3: {  	s1 =	sor.u32 s2, s1  }
0x4: {  	s2 =	smul.u32 $0x7D00, s1;
	_ =	sdelay $0x1  }
0x5: {  	s6 =	ssub.s32 $0x61A800, s2  }
0x6: {  	s3 =	smulhi.u32 $0x83126F, s6  }
0x7: {  	s8 =	rddreg [dreg:$0x0];
	s5 =	simm.s32 $0x1;
	s10 =	simm.s32 $0x3  }
0x8: {  	s13 =	simm.s32 $0x0;
	s12 =	simm.s32 $0x0;
	s7 =	sshrl.u32 s3, $0xB  }
0x9: {  	s1 =	rddreg [dreg:$0x1];
	_ =	strace $0x80000047;
	s9 =	smul.u32 $0xFA000, s7  }
.Ltmp0:
0xa: {  	s4 =	sadd.s32 $0xC3E00, s8;
	[sflag:s5] =	ssyncpa.u1 $0x0;
	(pc) =	sbr.rel .LBB2_1-.Ltmp0, $4  }
0xb: {  	s11 =	smov.u32 s2;
	p0 =	sne.s32 s6, s9;
	s9 =	simm.s32 $0x1  }
0xc: {  	s3 =	sadd.s32 $0x370200, s8;
	s6 =	simm.s32 $0x2;
	s9 =	simm.s32 @!p0 $0x0  }
0xd: {  	s8 =	sadd.s32 $0x187400, s8;
	[sflag:s6] =	ssyncpa.u1 $0x0;
	s7 =	sadd.s32 s9, s7  }
0xe: {  	vm0 =	vmmov $0xffff;
	[sflag:s10] =	ssyncpa.u1 $0x0;
	s10 =	simm.s32 $0x0;
	s9 =	sadd.s32 $0x1, s7  }
.LBB2_4:
0xf: {  	vm1 =	veq.s32 v4, $0x80000000;
	v56 =	vand.u32 $0x3F, v4;
	v6 =	vand.u32 $0x1FFFF, v6  }
0x10: {  	v2 =	vor.u32 v2, v5;
	v59 =	vshrl.u32 v1, $0x6;
	v60 =	vand.u32 $0x3F, v1  }
0x11: {  	v4 =	vsel vm1, $0xFFFFFFFF, v56;
	v6 =	vsel vm1, $0xFFFFFFFF, v6;
	v2 =	vor.u32 v3, v2  }
0x12: {  	vm1 =	veq.s32 v1, $0x80000000;
	v5 =	vand.u32 $0x1FFFF, v59;
	v7 =	vshrl.u32 v4, $0x3  }
0x13: {  	v57 =	vshll.u32 v6, $0x3;
	v4 =	vshll.u32 v4, $0x7;
	v1 =	vsel vm1, $0xFFFFFFFF, v60  }
0x14: {  	v5 =	vsel vm1, $0xFFFFFFFF, v5;
	v6 =	vand.u32 $0x7F, v6;
	v7 =	vmul.u32 $0xC3800, v7  }
0x15: {  	v58 =	vand.u32 $0xFFFFFC00, v57;
	v4 =	vand.u32 $0x380, v4;
	v61 =	vshrl.u32 v1, $0x3  }
0x16: {  	v62 =	vshll.u32 v5, $0x3;
	v3 =	vadd.s32 v7, v58;
	v7 =	vmul.u32 $0xC3800, v61  }
0x17: {  	v1 =	vshll.u32 v1, $0x7;
	v3 =	vor.u32 v4, v3;
	v4 =	vand.u32 $0xFFFFFC00, v62  }
0x18: {  	v1 =	vand.u32 $0x380, v1;
	v3 =	vor.u32 v6, v3;
	v4 =	vadd.s32 v7, v4  }
0x19: {  	[tilespmem:s16], [sflag:$0x1] =	stream.indirect_vreg.gather [hbm4b:s3+s10], $0x1, v0, vm0, $0x4038;
	v63 =	vand.u32 $0x7F, v5;
	v1 =	vor.u32 v1, v4;
	[tilespmem:$0x1F400] =	vst v63  }
0x1a: {  	s15 =	sadd.s32 $0x10, s15;
	(ifvalue) =	ssetifvalue $0x7FFFFFFF;
	v0 =	vor.u32 v63, v1  }
0x1b: {  	[tilespmem:s15], [sflag:$0x1] =	stream.indirect_vreg.gather [hbm4b:s3+s10], $0x1, v2, vm0, $0x4038;
	[tilespmem:$0x1F400] =	vst v63  }
0x1c: {  	s15 =	sadd.s32 $0x10, s15;
	(ifvalue) =	ssetifvalue $0x7FFFFFFF  }
0x1d: {  	[tilespmem:s15], [sflag:$0x1] =	stream.indirect_vreg.gather [hbm4b:s3+s10], $0x1, v3, vm0, $0x4038;
	[tilespmem:$0x1F400] =	vst v63  }
0x1e: {  	s15 =	sadd.s32 $0x10, s15;
	(ifvalue) =	ssetifvalue $0x7FFFFFFF  }
0x1f: {  	[tilespmem:s15], [sflag:$0x1] =	stream.indirect_vreg.gather [hbm4b:s3+s10], $0x1, v0, vm0, $0x4038;
	[tilespmem:$0x1F400] =	vst v63  }
0x20: {  	_ =	swait.ge [sflag:s5], $0x7D00  }
0x21: {  	s30 =	sshrl.u32 s13, $0x3;
	[sflag:s5] =	ssyncset.done $0x0  }
0x22: {  	s31 =	sand.u32 $0x7, s13;
	s15 =	sadd.s32 s8, s30;
	[sflag:s5] =	ssyncadd.s32 $0xFFFF8300  }
0x23: {  	[hbm4b:s15+s31] =	stream.linear.scatter [tilespmem:s14], [sflag:$0x3], $0x7D00, $0x38;
	[tilespmem:$0x1F400] =	vst v63  }
.LBB2_5:
0x24: {  	s15 =	sadd.s32 $0xFA000, s11  }
0x25: {  	p1 =	sgt.s32 s15, $0x61A7FF  }
0x26: {  	s15 =	smov.u32 @p1 s2;
	p1 =	sne.s32 s12, s9  }
.Ltmp1:
0x27: {  	p0 =	slt.u32 s12, $0x2;
	(pc) =	sbr.rel @!p1 .LBB2_6-.Ltmp1, $4  }
0x28: {  	s14 =	simm.s32 @!p0 $0x3  }
0x29: {  	_ =	swait.ge @!p0 [sflag:s14], $0x7D00  }
0x2a: {  	s16 =	sadd.s32 $0x1, s12;
	s13 =	smov.u32 s11;
	[sflag:s14] =	ssyncset.done @!p0 $0x0  }
0x2b: {  	s12 =	smov.u32 s16;
	s11 =	smov.u32 s15;
	[sflag:s14] =	ssyncadd.s32 @!p0 $0xFFFF8300  }
.LBB2_1:
0x2c: {  	p0 =	sge.u32 s12, s7  }
0x2d: {  	s14 =	sxor.u32 @!p0 $0xFFFFFFFF, s12  }
0x2e: {  	s14 =	sand.u32 @!p0 $0x1, s14  }
0x2f: {  	s14 =	smul.u32 @!p0 $0x1F400, s14  }
0x30: {  	s31 =	sadd.s32 $0xFFFFFFFF, s12;
	s15 =	sshrl.u32 @!p0 s11, $0x3  }
0x31: {  	s16 =	sand.u32 @!p0 $0x7, s11;
	s15 =	sadd.s32 @!p0 s4, s15;
	s14 =	sshrl.u32 @!p0 s14, $0x2  }
0x32: {  	[tilespmem:s14], [sflag:$0x2] =	stream.linear.gather @!p0 [hbm4b:s15+s16], $0x7D00, $0x38;
	[tilespmem:$0x1F400] =	vst v63  }
0x33: {  	p0 =	sge.u32 s31, s7  }
.Ltmp2:
0x34: {  	_ = 	snop;
	(pc) =	sbr.rel @p0 .LBB2_5-.Ltmp2, $1  }
0x35: {  	_ =	sdelay $0x3  }
0x36: {  	s14 =	sand.u32 $0x1, s12  }
0x37: {  	_ =	swait.ge [sflag:s6], $0x7D00;
	p0 =	seq.s32 s14, $0x1;
	s14 =	simm.s32 $0x7D00  }
0x38: {  	[sflag:s6] =	ssyncset.done $0x0;
	s14 =	simm.s32 @!p0 $0x0  }
0x39: {  	[sflag:s6] =	ssyncadd.s32 $0xFFFF8300;
	(ifvalue) =	ssetifvalue $0x7FFFFFFF;
	v0 =	vld.msk [tilespmem:s14+$0x0 ss:$0x1], $0xffff  }
0x3a: {  	s15 =	sadd.s32 $0x10, s14  }
0x3b: {  	v1 =	vld.msk [tilespmem:s15+$0x0 ss:$0x1], $0xffff;
	_ =	sdelay $0x2  }
0x3c: {  	v2 =	vshrl.u32 v0, $0x6  }
0x3d: {  	vm1 =	veq.s32 v0, $0x80000000;
	v0 =	vand.u32 $0x3F, v0;
	v2 =	vand.u32 $0x1FFFF, v2  }
0x3e: {  	v0 =	vsel vm1, $0xFFFFFFFF, v0;
	v6 =	vshrl.u32 v1, $0x6;
	v2 =	vsel vm1, $0xFFFFFFFF, v2  }
0x3f: {  	v3 =	vshrl.u32 v0, $0x3;
	v0 =	vshll.u32 v0, $0x7;
	vm1 =	veq.s32 v1, $0x80000000  }
0x40: {  	s15 =	sadd.s32 $0x10, s15;
	v1 =	vand.u32 $0x3F, v1;
	v4 =	vshll.u32 v2, $0x3;
	v3 =	vmul.u32 $0xC3800, v3  }
0x41: {  	v0 =	vand.u32 $0x380, v0;
	v7 =	vand.u32 $0x7F, v2;
	v5 =	vand.u32 $0xFFFFFC00, v4;
	v4 =	vld.msk [tilespmem:s15+$0x0 ss:$0x1], $0xffff  }
0x42: {  	v1 =	vsel vm1, $0xFFFFFFFF, v1;
	v2 =	vadd.s32 v3, v5;
	v3 =	vand.u32 $0x1FFFF, v6  }
0x43: {  	v3 =	vsel vm1, $0xFFFFFFFF, v3;
	v0 =	vor.u32 v0, v2;
	v2 =	vshrl.u32 v1, $0x3  }
0x44: {  	v1 =	vshll.u32 v1, $0x7;
	v5 =	vshll.u32 v3, $0x3;
	v8 =	vmul.u32 $0xC3800, v2  }
0x45: {  	s18 =	simm.s32 $0x30;
	s14 =	sadd.s32 $0xFA00, s14;
	s17 =	sadd.s32 $0x10, s15;
	v2 =	vand.u32 $0x380, v1;
	v0 =	vor.u32 v7, v0;
	v5 =	vand.u32 $0xFFFFFC00, v5  }
0x46: {  	s16 =	smov.u32 s14;
	s15 =	smov.u32 s14;
	v1 =	vld.msk [tilespmem:s17+$0x0 ss:$0x1], $0xffff;
	v3 =	vand.u32 $0x7F, v3;
	(ifvalue) =	ssetifvalue $0x7FFFFFFF;
	v6 =	vshrl.u32 v4, $0x6;
	v5 =	vadd.s32 v8, v5  }
.LBB2_3:
0x47: {  	s18 =	sadd.s32 $0x10, s18  }
0x48: {  	vm1 =	veq.s32 v4, $0x80000000;
	v4 =	vand.u32 $0x3F, v4;
	v6 =	vand.u32 $0x1FFFF, v6;
	s15 =	sadd.s32 $0x10, s15;
	p0 =	slt.u32 s18, $0x7CF0  }
.Ltmp3:
0x49: {  	v5 =	vor.u32 v2, v5;
	v4 =	vsel vm1, $0xFFFFFFFF, v4;
	v7 =	vsel vm1, $0xFFFFFFFF, v6;
	(pc) =	sbr.rel @p0 .LBB2_3-.Ltmp3, $4  }
0x4a: {  	v2 =	vshrl.u32 v4, $0x3;
	v6 =	vshll.u32 v7, $0x3;
	v4 =	vshll.u32 v4, $0x7;
	[tilespmem:s16], [sflag:$0x1] =	stream.indirect_vreg.gather [hbm4b:s3+s10], $0x1, v0, vm0, $0x4038;
	[tilespmem:$0x1F400] =	vst v63  }
0x4b: {  	v0 =	vor.u32 v3, v5;
	s16 =	smov.u32 s15;
	v8 =	vmul.u32 $0xC3800, v2;
	v2 =	vand.u32 $0x380, v4  }
0x4c: {  	s17 =	sadd.s32 $0x10, s17;
	v9 =	vand.u32 $0xFFFFFC00, v6  }
0x4d: {  	v3 =	vand.u32 $0x7F, v7;
	v6 =	vshrl.u32 v1, $0x6;
	v5 =	vadd.s32 v8, v9;
	(ifvalue) =	ssetifvalue $0x7FFFFFFF;
	v4 =	vmovc v1;
	v1 =	vld.msk [tilespmem:s17+$0x0 ss:$0x1], $0xffff  }
.Ltmp4:
0x4e: {  	_ = 	snop;
	(pc) =	sbr.rel .LBB2_4-.Ltmp4, $1  }
0x4f: {  	_ =	sdelay $0x3  }
.LBB2_6:
0x50: {  	_ =	sfence.sel $0x180000  }
0x51: {  	s2 =	simm.s32 $0x2;
	[bflag:$0x0] =	sbarrier.arrive $0xFFFF  }
0x52: {  	s30 =	simm.s32 $0x3;
	[sflag:s2] =	ssyncpa.u1 $0x1  }
0x53: {  	s31 =	simm.s32 $0x1;
	[sflag:s30] =	ssyncpa.u1 $0x1  }
0x54: {  	[sflag:s31] =	ssyncpa.u1 $0x1  }
0x55: {  	p0 =	sne.s32 s0, $0x0;
	_ =	strace $0x90000047  }
0x56: {  	s0 =	sadd.s32 @!p0 $0x100000, s1;
	[bflag:$0x2] =	sbarrier.arrive $0xFFFF  }
0x57: {  	[sflag:s0] =	ssyncadd.tile.s32 @!p0 $0x1;
	_ =	shalt  }
.Lfunc_end2:
_tile_overlayer_lowered:
.L_overlay_start_2:
0x58: {  	(tag) =	ssettag $0x2  }
0x59: {  	s0 =	rddreg [dreg:$0x0];
	s2 =	stileid.u32  }
0x5a: {  	s1 =	rddreg [dreg:$0x1];
	p0 =	sne.s32 s2, $0x0  }
0x5b: {  	s3 =	rddreg [dreg:$0x2];
	[bflag:$0x3] =	sbarrier.arrive $0xFFFF;
	s2 =	simm.s32 @!p0 $0x1C01  }
0x5c: {  	[timem:s3], [sflag:s2] =	dma.local @!p0 [hbm:s0], s1  }
0x5d: {  	s0 =	simm.s32 @!p0 $0x1  }
0x5e: {  	_ =	swait.ge @!p0 [sflag:s0], s1  }
0x5f: {  	s1 =	ssub.s32 @!p0 $0x0, s1;
	[sflag:s0] =	ssyncset.done @!p0 $0x0  }
0x60: {  	[sflag:s0] =	ssyncadd.s32 @!p0 s1  }
0x61: {  	[bflag:$0x3] =	sbarrier.arrive $0xFFFF  }
0x62: {  	_ =	shalt  }

</sc_bundles>
